<compile_context>
chip_gen: v7x
topology: tpu7x:2x2x1
jax: 0.10.2.dev20260603
libtpu: 0.0.44.dev20260713+nightly
codegen_flags: <defaults>
</compile_context>

<pallas_src>
import functools

import jax
import jax.numpy as jnp
from jax import lax
from jax.experimental import pallas as pl
from jax.experimental.pallas import tpu as pltpu
from jax.experimental.pallas import tpu_sc as plsc

_R = 4


def _linear_kernel(x_ref, w_ref, b_ref, y_ref):
    y_ref[...] = jax.lax.dot_general(
        x_ref[...], w_ref[...], (((1,), (1,)), ((), ())),
        preferred_element_type=jnp.float32) + b_ref[...]


def _linear(x, W, b):
    n, c_in = x.shape
    c_out = W.shape[0]
    bn = 10000
    return pl.pallas_call(
        _linear_kernel,
        grid=(n // bn,),
        in_specs=[
            pl.BlockSpec((bn, c_in), lambda i: (i, i - i)),
            pl.BlockSpec((c_out, c_in), lambda i: (i - i, i - i)),
            pl.BlockSpec((1, c_out), lambda i: (i - i, i - i)),
        ],
        out_specs=pl.BlockSpec((bn, c_out), lambda i: (i, i - i)),
        out_shape=jax.ShapeDtypeStruct((n, c_out), jnp.float32),
    )(x, W, b.reshape(1, c_out))


def _make_dup_sc(n_out, c):
    info = plsc.get_sparse_core_info()
    nw = info.num_cores * info.num_subcores
    ch = 64
    n_chunks = n_out // ch
    per_w = -(-n_chunks // nw)
    mesh = plsc.VectorSubcoreMesh(core_axis_name="c", subcore_axis_name="s")

    @functools.partial(
        pl.kernel, mesh=mesh,
        out_type=jax.ShapeDtypeStruct((n_out, c), jnp.float32),
        scratch_types=[
            pltpu.VMEM((ch,), jnp.int32),
            pltpu.VMEM((ch, c), jnp.float32),
            pltpu.SemaphoreType.DMA,
        ],
    )
    def dup(y_hbm, idx_hbm, out_hbm, idx_v, rows_v, sem):
        wid = lax.axis_index("s") * info.num_cores + lax.axis_index("c")

        def body(t, carry):
            k = t * nw + wid

            @pl.when(k < n_chunks)
            def _():
                base = k * ch
                pltpu.sync_copy(idx_hbm.at[pl.ds(base, ch)], idx_v)
                pltpu.async_copy(y_hbm.at[idx_v], rows_v, sem).wait()
                pltpu.sync_copy(rows_v, out_hbm.at[pl.ds(base, ch)])
            return carry

        lax.fori_loop(jnp.int32(0), jnp.int32(per_w), body, jnp.int32(0))

    return dup


def kernel(x, edge_index, W, b):
    n, c_in = x.shape
    c_out = W.shape[0]
    y = _linear(x, W, b)
    idx = jnp.arange(_R * n, dtype=jnp.int32) // _R
    dup = _make_dup_sc(_R * n, c_out)
    return dup(y, idx)

# --- scband reference (transcript-rebuilt; emitter-appended) ---
"""Pipeline reference for scband-duplicate-upsampler-88948772700687 (READ-ONLY COPY).

The authoritative reference and input builder live on the scoring server;
editing this copy changes nothing except your own understanding.
"""

import jax
jax.config.update('jax_enable_x64', True)
import jax.numpy as jnp
import numpy as np

N = 50000
C_IN = 128
C_OUT = 128
K = 16
R = 4


def setup_inputs(seed: int = 0) -> dict:
    key = jax.random.key(seed)
    k1, k2, k3, k4 = jax.random.split(key, 4)
    x = jax.random.normal(k1, (N, C_IN), dtype=jnp.float32)
    edge_index = jax.random.randint(k2, (2, N * K), 0, N, dtype=jnp.int64)
    # torch.nn.Linear(in_features=C_IN, out_features=C_OUT): weight [out, in], bias [out]
    bound = 1.0 / np.sqrt(C_IN)
    W = jax.random.uniform(k3, (C_OUT, C_IN), dtype=jnp.float32, minval=-bound, maxval=bound)
    b = jax.random.uniform(k4, (C_OUT,), dtype=jnp.float32, minval=-bound, maxval=bound)
    return {"x": x, "edge_index": edge_index, "W": W, "b": b}


def reference(x, edge_index, W, b):
    # DuplicateUpsampler.forward with edge_index provided and batch=None:
    #   - knn_graph is skipped (edge_index given); edge_index is otherwise unused in forward
    #   - DuplicatePoints: repeat(x, 'n c -> (n r) c', r=R)  == repeat_interleave along dim 0
    #   - Linear projection
    x_dup = jnp.repeat(x, R, axis=0)  # [r*N, C_IN]
    out = x_dup @ W.T + b  # [r*N, C_OUT]
    return out

if __name__ == "__main__":
    import jax
    _d = setup_inputs()
    print(jax.jit(kernel)(*tuple(_d.values())))

</pallas_src>

<mosaic_0001>
#map = affine_map<(d0, d1) -> (0, 0)>
#map1 = affine_map<(d0, d1) -> (0)>
module attributes {stable_mosaic.version = 14 : i64} {
  func.func @dup(%arg0: i32, %arg1: i32, %arg2: memref<50000x128xf32, #tpu.memory_space<hbm>>, %arg3: memref<200000xi32, #tpu.memory_space<hbm>>, %arg4: memref<200000x128xf32, #tpu.memory_space<hbm>>, %arg5: memref<64xi32, #tpu.memory_space<vmem>>, %arg6: memref<64x128xf32, #tpu.memory_space<vmem>>, %arg7: memref<!tpu.dma_semaphore, #tpu.memory_space<semaphore_mem>>) attributes {dimension_semantics = [#tpu.dimension_semantics<core_parallel>, #tpu.dimension_semantics<subcore_parallel>], iteration_bounds = array<i64: 2, 16>, scalar_prefetch = 0 : i64, scratch_operands = 3 : i64, tpu.core_type = #tpu.core_type<sc_vector_subcore>, window_params = [{transform_indices = #map}, {transform_indices = #map1}, {transform_indices = #map}]} {
    %mul3A = arith.constant 2 : i32
    %mul3A_0 = arith.muli %arg1, %mul3A : i32
    %add3A = arith.addi %mul3A_0, %arg0 : i32
    %while3A = arith.constant 0 : i32
    %while3A_1 = arith.constant 0 : i32
    %while3A_2 = arith.constant 98 : i32
    %while3A_3 = arith.subi %while3A_2, %while3A_1 : i32
    %while3A_4 = arith.addi %while3A_1, %while3A_3 : i32
    %while3A_5 = arith.constant 1 : i32
    %while3A_6 = arith.divsi %while3A_3, %while3A_5 : i32
    %while3A_7 = arith.muli %while3A_6, %while3A_5 : i32
    %while3A_8 = arith.addi %while3A_1, %while3A_7 : i32
    %while3A_9 = arith.constant 1 : i32
    scf.for %while3A_11 = %while3A_1 to %while3A_8 step %while3A_9  : i32 {
      %mul3A_12 = arith.constant 32 : i32
      %mul3A_13 = arith.muli %while3A_11, %mul3A_12 : i32
      %add3A_14 = arith.addi %mul3A_13, %add3A : i32
      %lt3A = arith.constant 3125 : i32
      %lt3A_15 = arith.cmpi slt, %add3A_14, %lt3A : i32
      %convert_element_type3A = arith.extui %lt3A_15 : i1 to i32
      %cond3A = arith.constant 0 : i32
      %cond3A_16 = arith.cmpi ne, %convert_element_type3A, %cond3A : i32
      scf.if %cond3A_16 {
        %mul3A_17 = arith.constant 64 : i32
        %mul3A_18 = arith.muli %add3A_14, %mul3A_17 : i32
        "tpu.region"() ({
          %run_scoped3A = tpu.sem_alloc : memref<!tpu.dma_semaphore, #tpu.memory_space<semaphore_mem>>
          %dma_start3A_23 = tpu.memref_slice %arg3[%mul3A_18] : memref<200000xi32, #tpu.memory_space<hbm>> -> memref<64xi32, #tpu.memory_space<hbm>>
          %dma_start3A_24 = tpu.memref_slice %arg3[%mul3A_18] : memref<200000xi32, #tpu.memory_space<hbm>> -> memref<64xi32, #tpu.memory_space<hbm>>
          tpu.enqueue_dma source(%dma_start3A_24 : memref<64xi32, #tpu.memory_space<hbm>>) target(%arg5 : memref<64xi32, #tpu.memory_space<vmem>>) target_semaphore(%run_scoped3A : memref<!tpu.dma_semaphore, #tpu.memory_space<semaphore_mem>>)
          %dma_wait3A_25 = tpu.memref_slice %arg3[%mul3A_18] : memref<200000xi32, #tpu.memory_space<hbm>> -> memref<64xi32, #tpu.memory_space<hbm>>
          %dma_wait3A_26 = tpu.memref_slice %arg3[%mul3A_18] : memref<200000xi32, #tpu.memory_space<hbm>> -> memref<64xi32, #tpu.memory_space<hbm>>
          tpu.wait_dma2 semaphore(%run_scoped3A : memref<!tpu.dma_semaphore, #tpu.memory_space<semaphore_mem>>) src(%dma_wait3A_26 : memref<64xi32, #tpu.memory_space<hbm>>) dst(%arg5 : memref<64xi32, #tpu.memory_space<vmem>>)
          tpu.yield
        }) : () -> ()
        %dma_start3A = arith.constant 0 : i32
        %dma_start3A_19 = arith.constant 0 : i32
        %dma_start3A_20 = tpu.memref_slice %arg2[%dma_start3A, %dma_start3A_19] : memref<50000x128xf32, #tpu.memory_space<hbm>> -> memref<50000x128xf32, #tpu.memory_space<hbm>>
        tpu.enqueue_indirect_dma source(%dma_start3A_20 : memref<50000x128xf32, #tpu.memory_space<hbm>>) target(%arg6 : memref<64x128xf32, #tpu.memory_space<vmem>>) offsets(%arg5 : memref<64xi32, #tpu.memory_space<vmem>>) semaphore(%arg7 : memref<!tpu.dma_semaphore, #tpu.memory_space<semaphore_mem>>)
        %dma_wait3A = arith.constant 0 : i32
        %dma_wait3A_21 = arith.constant 0 : i32
        %dma_wait3A_22 = tpu.memref_slice %arg2[%dma_wait3A, %dma_wait3A_21] : memref<50000x128xf32, #tpu.memory_space<hbm>> -> memref<50000x128xf32, #tpu.memory_space<hbm>>
        tpu.wait_indirect_dma semaphore(%arg7 : memref<!tpu.dma_semaphore, #tpu.memory_space<semaphore_mem>>) src(%dma_wait3A_22 : memref<50000x128xf32, #tpu.memory_space<hbm>>) dst(%arg6 : memref<64x128xf32, #tpu.memory_space<vmem>>)
        "tpu.region"() ({
          %run_scoped3A = tpu.sem_alloc : memref<!tpu.dma_semaphore, #tpu.memory_space<semaphore_mem>>
          %dma_start3A_23 = arith.constant 0 : i32
          %dma_start3A_24 = tpu.memref_slice %arg4[%mul3A_18, %dma_start3A_23] : memref<200000x128xf32, #tpu.memory_space<hbm>> -> memref<64x128xf32, #tpu.memory_space<hbm>>
          %dma_start3A_25 = arith.constant 0 : i32
          %dma_start3A_26 = tpu.memref_slice %arg4[%mul3A_18, %dma_start3A_25] : memref<200000x128xf32, #tpu.memory_space<hbm>> -> memref<64x128xf32, #tpu.memory_space<hbm>>
          tpu.enqueue_dma source(%arg6 : memref<64x128xf32, #tpu.memory_space<vmem>>) target(%dma_start3A_26 : memref<64x128xf32, #tpu.memory_space<hbm>>) target_semaphore(%run_scoped3A : memref<!tpu.dma_semaphore, #tpu.memory_space<semaphore_mem>>)
          %dma_wait3A_27 = arith.constant 0 : i32
          %dma_wait3A_28 = tpu.memref_slice %arg4[%mul3A_18, %dma_wait3A_27] : memref<200000x128xf32, #tpu.memory_space<hbm>> -> memref<64x128xf32, #tpu.memory_space<hbm>>
          %dma_wait3A_29 = arith.constant 0 : i32
          %dma_wait3A_30 = tpu.memref_slice %arg4[%mul3A_18, %dma_wait3A_29] : memref<200000x128xf32, #tpu.memory_space<hbm>> -> memref<64x128xf32, #tpu.memory_space<hbm>>
          tpu.wait_dma2 semaphore(%run_scoped3A : memref<!tpu.dma_semaphore, #tpu.memory_space<semaphore_mem>>) src(%arg6 : memref<64x128xf32, #tpu.memory_space<vmem>>) dst(%dma_wait3A_30 : memref<64x128xf32, #tpu.memory_space<hbm>>)
          tpu.yield
        }) : () -> ()
      } else {
      }
    }
    %while3A_10 = arith.constant 1 : i32
    scf.for %while3A_11 = %while3A_8 to %while3A_4 step %while3A_10  : i32 {
      %mul3A_12 = arith.constant 32 : i32
      %mul3A_13 = arith.muli %while3A_11, %mul3A_12 : i32
      %add3A_14 = arith.addi %mul3A_13, %add3A : i32
      %lt3A = arith.constant 3125 : i32
      %lt3A_15 = arith.cmpi slt, %add3A_14, %lt3A : i32
      %convert_element_type3A = arith.extui %lt3A_15 : i1 to i32
      %cond3A = arith.constant 0 : i32
      %cond3A_16 = arith.cmpi ne, %convert_element_type3A, %cond3A : i32
      scf.if %cond3A_16 {
        %mul3A_17 = arith.constant 64 : i32
        %mul3A_18 = arith.muli %add3A_14, %mul3A_17 : i32
        "tpu.region"() ({
          %run_scoped3A = tpu.sem_alloc : memref<!tpu.dma_semaphore, #tpu.memory_space<semaphore_mem>>
          %dma_start3A_23 = tpu.memref_slice %arg3[%mul3A_18] : memref<200000xi32, #tpu.memory_space<hbm>> -> memref<64xi32, #tpu.memory_space<hbm>>
          %dma_start3A_24 = tpu.memref_slice %arg3[%mul3A_18] : memref<200000xi32, #tpu.memory_space<hbm>> -> memref<64xi32, #tpu.memory_space<hbm>>
          tpu.enqueue_dma source(%dma_start3A_24 : memref<64xi32, #tpu.memory_space<hbm>>) target(%arg5 : memref<64xi32, #tpu.memory_space<vmem>>) target_semaphore(%run_scoped3A : memref<!tpu.dma_semaphore, #tpu.memory_space<semaphore_mem>>)
          %dma_wait3A_25 = tpu.memref_slice %arg3[%mul3A_18] : memref<200000xi32, #tpu.memory_space<hbm>> -> memref<64xi32, #tpu.memory_space<hbm>>
          %dma_wait3A_26 = tpu.memref_slice %arg3[%mul3A_18] : memref<200000xi32, #tpu.memory_space<hbm>> -> memref<64xi32, #tpu.memory_space<hbm>>
          tpu.wait_dma2 semaphore(%run_scoped3A : memref<!tpu.dma_semaphore, #tpu.memory_space<semaphore_mem>>) src(%dma_wait3A_26 : memref<64xi32, #tpu.memory_space<hbm>>) dst(%arg5 : memref<64xi32, #tpu.memory_space<vmem>>)
          tpu.yield
        }) : () -> ()
        %dma_start3A = arith.constant 0 : i32
        %dma_start3A_19 = arith.constant 0 : i32
        %dma_start3A_20 = tpu.memref_slice %arg2[%dma_start3A, %dma_start3A_19] : memref<50000x128xf32, #tpu.memory_space<hbm>> -> memref<50000x128xf32, #tpu.memory_space<hbm>>
        tpu.enqueue_indirect_dma source(%dma_start3A_20 : memref<50000x128xf32, #tpu.memory_space<hbm>>) target(%arg6 : memref<64x128xf32, #tpu.memory_space<vmem>>) offsets(%arg5 : memref<64xi32, #tpu.memory_space<vmem>>) semaphore(%arg7 : memref<!tpu.dma_semaphore, #tpu.memory_space<semaphore_mem>>)
        %dma_wait3A = arith.constant 0 : i32
        %dma_wait3A_21 = arith.constant 0 : i32
        %dma_wait3A_22 = tpu.memref_slice %arg2[%dma_wait3A, %dma_wait3A_21] : memref<50000x128xf32, #tpu.memory_space<hbm>> -> memref<50000x128xf32, #tpu.memory_space<hbm>>
        tpu.wait_indirect_dma semaphore(%arg7 : memref<!tpu.dma_semaphore, #tpu.memory_space<semaphore_mem>>) src(%dma_wait3A_22 : memref<50000x128xf32, #tpu.memory_space<hbm>>) dst(%arg6 : memref<64x128xf32, #tpu.memory_space<vmem>>)
        "tpu.region"() ({
          %run_scoped3A = tpu.sem_alloc : memref<!tpu.dma_semaphore, #tpu.memory_space<semaphore_mem>>
          %dma_start3A_23 = arith.constant 0 : i32
          %dma_start3A_24 = tpu.memref_slice %arg4[%mul3A_18, %dma_start3A_23] : memref<200000x128xf32, #tpu.memory_space<hbm>> -> memref<64x128xf32, #tpu.memory_space<hbm>>
          %dma_start3A_25 = arith.constant 0 : i32
          %dma_start3A_26 = tpu.memref_slice %arg4[%mul3A_18, %dma_start3A_25] : memref<200000x128xf32, #tpu.memory_space<hbm>> -> memref<64x128xf32, #tpu.memory_space<hbm>>
          tpu.enqueue_dma source(%arg6 : memref<64x128xf32, #tpu.memory_space<vmem>>) target(%dma_start3A_26 : memref<64x128xf32, #tpu.memory_space<hbm>>) target_semaphore(%run_scoped3A : memref<!tpu.dma_semaphore, #tpu.memory_space<semaphore_mem>>)
          %dma_wait3A_27 = arith.constant 0 : i32
          %dma_wait3A_28 = tpu.memref_slice %arg4[%mul3A_18, %dma_wait3A_27] : memref<200000x128xf32, #tpu.memory_space<hbm>> -> memref<64x128xf32, #tpu.memory_space<hbm>>
          %dma_wait3A_29 = arith.constant 0 : i32
          %dma_wait3A_30 = tpu.memref_slice %arg4[%mul3A_18, %dma_wait3A_29] : memref<200000x128xf32, #tpu.memory_space<hbm>> -> memref<64x128xf32, #tpu.memory_space<hbm>>
          tpu.wait_dma2 semaphore(%run_scoped3A : memref<!tpu.dma_semaphore, #tpu.memory_space<semaphore_mem>>) src(%arg6 : memref<64x128xf32, #tpu.memory_space<vmem>>) dst(%dma_wait3A_30 : memref<64x128xf32, #tpu.memory_space<hbm>>)
          tpu.yield
        }) : () -> ()
      } else {
      }
    }
    return
  }
}

module attributes {stable_mosaic.version = 14 : i64} {
  func.func @_linear_kernel(%arg0: i32, %arg1: memref<10000x128xf32, #tpu.memory_space<vmem>>, %arg2: memref<128x128xf32, #tpu.memory_space<vmem>>, %arg3: memref<1x128xf32, #tpu.memory_space<vmem>>, %arg4: memref<10000x128xf32, #tpu.memory_space<vmem>>) attributes {dimension_semantics = [#tpu.dimension_semantics<arbitrary>], iteration_bounds = array<i64: 5>, scalar_prefetch = 0 : i64, scratch_operands = 0 : i64, tpu.core_type = #tpu.core_type<tc>, window_params = [{transform_indices = @transform_0, window_bounds = array<i64: 10000, 128>}, {transform_indices = @transform_1, window_bounds = array<i64: 128, 128>}, {transform_indices = @transform_2, window_bounds = array<i64: 1, 128>}, {transform_indices = @transform_3, window_bounds = array<i64: 10000, 128>}]} {
    %get3A = arith.constant 0 : index
    %get3A_0 = arith.constant 0 : index
    %get3A_1 = vector.load %arg1[%get3A, %get3A_0] : memref<10000x128xf32, #tpu.memory_space<vmem>>, vector<10000x128xf32>
    %get3A_2 = arith.constant 0 : index
    %get3A_3 = arith.constant 0 : index
    %get3A_4 = vector.load %arg2[%get3A_2, %get3A_3] : memref<128x128xf32, #tpu.memory_space<vmem>>, vector<128x128xf32>
    %dot_general3A = arith.constant dense<0.000000e+00> : vector<10000x128xf32>
    %dot_general3A_5 = tpu.matmul %get3A_1, %get3A_4, %dot_general3A {dimension_numbers = #tpu.dot_dimension_numbers<[1], [1], [0], [0], [0, 0, 1, 0], [], []>, transpose_lhs_hint = false} : vector<10000x128xf32>, vector<128x128xf32>, vector<10000x128xf32> -> vector<10000x128xf32>
    %get3A_6 = arith.constant 0 : index
    %get3A_7 = arith.constant 0 : index
    %get3A_8 = vector.load %arg3[%get3A_6, %get3A_7] : memref<1x128xf32, #tpu.memory_space<vmem>>, vector<1x128xf32>
    %add3A = vector.broadcast %get3A_8 : vector<1x128xf32> to vector<10000x128xf32>
    %add3A_9 = arith.addf %dot_general3A_5, %add3A : vector<10000x128xf32>
    %swap3A = arith.constant 0 : index
    %swap3A_10 = arith.constant 0 : index
    %swap3A_11 = vector.load %arg4[%swap3A, %swap3A_10] : memref<10000x128xf32, #tpu.memory_space<vmem>>, vector<10000x128xf32>
    tpu.vector_store %arg4[%swap3A, %swap3A_10], %add3A_9 {strides = array<i32>} : memref<10000x128xf32, #tpu.memory_space<vmem>>, vector<10000x128xf32>,
    return
  }
  func.func @transform_0(%arg0: i32) -> (i32, i32) {
    %sub3A = arith.subi %arg0, %arg0 : i32
    %c0_i32 = arith.constant 0 : i32
    return %arg0, %sub3A : i32, i32
  }
  func.func @transform_1(%arg0: i32) -> (i32, i32) {
    %sub3A = arith.subi %arg0, %arg0 : i32
    %sub3A_0 = arith.subi %arg0, %arg0 : i32
    %c0_i32 = arith.constant 0 : i32
    return %sub3A, %sub3A_0 : i32, i32
  }
  func.func @transform_2(%arg0: i32) -> (i32, i32) {
    %sub3A = arith.subi %arg0, %arg0 : i32
    %sub3A_0 = arith.subi %arg0, %arg0 : i32
    %c0_i32 = arith.constant 0 : i32
    return %sub3A, %sub3A_0 : i32, i32
  }
  func.func @transform_3(%arg0: i32) -> (i32, i32) {
    %sub3A = arith.subi %arg0, %arg0 : i32
    %c0_i32 = arith.constant 0 : i32
    return %arg0, %sub3A : i32, i32
  }
}

</mosaic_0001>

<sc_bundles>
// kernel: kernel.4.cloned.1.call-start
scs
__scs_entry_jumppad:
0x0: {  	(pc) =	sbr.rel $0x88, $3  }
0x1: {  	(tag) =	ssettag $0x0;
	lr =	simm.s32 $0x1  }
0x2: {  	[smem:$0x3F9E] =	sst lr;
	_ =	strace $0xD0000000  }
0x3: {  	_ = 	snop  }
0x4: {  	_ = 	snop  }
0x5: {  	_ = 	snop  }
0x6: {  	_ = 	snop  }
0x7: {  	_ = 	snop  }
__scs_overlays_trampoline_lowered:
0x8: {  	[smem:$0x3FAD] =	sst s0  }
0x9: {  	[smem:$0x3FAE] =	sst s1  }
0xa: {  	[smem:$0x3FAF] =	sst s2  }
0xb: {  	[smem:$0x3FB0] =	sst s3  }
0xc: {  	[smem:$0x3FB1] =	sst s4  }
0xd: {  	[smem:$0x3FB2] =	sst s5  }
0xe: {  	[smem:$0x3FB3] =	sst s6  }
0xf: {  	[smem:$0x3FB4] =	sst s7  }
0x10: {  	[smem:$0x3FB5] =	sst s8  }
0x11: {  	[smem:$0x3FB6] =	sst s9;
	s0 =	simm.s32 @!p0 $0x0  }
0x12: {  	s1 =	sld [smem:$0x3F9C];
	s0 =	simm.s32 @p0 $0x1  }
0x13: {  	[smem:$0x3FB7] =	sst s0;
	s0 =	simm.s32 @!p1 $0x0  }
0x14: {  	s2 =	sld [smem:$0x3F9B];
	s0 =	simm.s32 @p1 $0x1  }
0x15: {  	[smem:$0x3FB8] =	sst s0;
	s0 =	simm.s32 @!p2 $0x0  }
0x16: {  	s3 =	sld [smem:$0x3FDB];
	s0 =	simm.s32 @p2 $0x1  }
0x17: {  	s4 =	simm.s32 $0x1BF5;
	[smem:$0x3FBA] =	sst s0  }
0x18: {  	s0 =	sld [smem:$0x3F9D];
	_ =	swait.ge [sflag:s4], $0x0  }
0x19: {  	s7 =	sld [smem:$0x3F9E]  }
0x1a: {  	s8 =	sadd.s32 $0xFFFFE003, lr  }
0x1b: {  	s9 =	sadd.s32 $0xFFFFFEF7, lr;
	s5 =	simm.s32 $0xFFFFFFFF;
	p2 =	slt.u32 s8, $0xFFFFF086  }
0x1c: {  	p1 =	slt.u32 s9, $0xF7A;
	s5 =	simm.s32 @!p2 $0x0  }
0x1d: {  	s5 =	simm.s32 @p1 $0x1;
	p0 =	seq.s32 s7, s2  }
0x1e: {  	s7 =	smul.u32 @!p0 $0xF7A, s2;
	p2 =	seq.s32 @!p0 s5, $0x0  }
0x1f: {  	s9 =	smul.u32 $0xF7A, s1;
	s8 =	simm.s32 @!p0 $0x1BF5;
	p2 =	por !p2, p0  }
0x20: {  	[sflag:s8] =	ssyncset.s32 @!p0 $0xFFFFF086;
	s6 =	sadd.s32 @!p0 s3, s7;
	s7 =	simm.s32 @!p0 $0x108  }
0x21: {  	s3 =	sadd.s32 s3, s9;
	s6 =	sadd.s32 @!p0 $0x88, s6;
	s7 =	simm.s32 @p2 $0x1082  }
0x22: {  	[simem:s7], [sflag:s8] =	dma.local @!p0 [hbm:s6], $0xF7A  }
0x23: {  	s9 =	sor.u32 $0xD0000000, s2;
	s6 =	simm.s32 $0x108;
	_ =	swait.ge @!p0 [sflag:s8], $0x0  }
0x24: {  	s3 =	sadd.s32 $0x88, s3;
	s6 =	simm.s32 @!p1 $0x1082;
	[sflag:s4] =	ssyncset.s32 $0xFFFFF086  }
0x25: {  	[simem:s6], [sflag:s4] =	dma.local [hbm:s3], $0xF7A  }
0x26: {  	[smem:$0x3F9E] =	sst s1;
	(tag) =	ssettag s2;
	_ =	strace s9  }
0x27: {  	s1 =	sld [smem:$0x3FAE]  }
0x28: {  	s2 =	sld [smem:$0x3FAF]  }
0x29: {  	s4 =	sld [smem:$0x3FB1]  }
0x2a: {  	p0 =	seq.s32 s5, $0x0;
	s5 =	sld [smem:$0x3FB2]  }
0x2b: {  	s6 =	sld [smem:$0x3FB3]  }
0x2c: {  	s7 =	sld [smem:$0x3FB4]  }
0x2d: {  	s3 =	simm.s32 $0x108;
	s8 =	sld [smem:$0x3FB5]  }
0x2e: {  	s3 =	simm.s32 @!p0 $0x1082;
	s9 =	sld [smem:$0x3FB6]  }
0x2f: {  	lr =	sadd.s32 s0, s3;
	s0 =	sld [smem:$0x3FAD]  }
0x30: {  	s3 =	sld [smem:$0x3FB0]  }
0x31: {  	[smem:$0x3FB9] =	sst s10  }
0x32: {  	s10 =	sld [smem:$0x3FB7];
	_ =	sdelay $0x3  }
0x33: {  	p0 =	seq.s32 s10, $0x1;
	s10 =	sld [smem:$0x3FB9];
	_ =	sdelay $0x3  }
0x34: {  	[smem:$0x3FB9] =	sst s10  }
0x35: {  	s10 =	sld [smem:$0x3FB8];
	_ =	sdelay $0x3  }
0x36: {  	p1 =	seq.s32 s10, $0x1;
	s10 =	sld [smem:$0x3FB9];
	_ =	sdelay $0x3  }
0x37: {  	[smem:$0x3FB9] =	sst s10  }
0x38: {  	s10 =	sld [smem:$0x3FBA]  }
0x39: {  	_ = 	snop;
	(pc) =	sbr.ind lr, $3  }
0x3a: {  	_ = 	snop  }
0x3b: {  	_ = 	snop  }
0x3c: {  	p2 =	seq.s32 s10, $0x1;
	s10 =	sld [smem:$0x3FB9]  }
0x3d: {  	_ =	shalt  }
0x3e: {  	_ =	shalt  }
0x3f: {  	_ =	shalt  }
0x40: {  	_ =	shalt  }
0x41: {  	_ =	shalt  }
0x42: {  	_ =	shalt  }
0x43: {  	_ =	shalt  }
0x44: {  	_ =	shalt  }
0x45: {  	_ =	shalt  }
0x46: {  	_ =	shalt  }
0x47: {  	_ =	shalt  }
0x48: {  	_ =	shalt  }
0x49: {  	_ =	shalt  }
0x4a: {  	_ =	shalt  }
0x4b: {  	_ =	shalt  }
0x4c: {  	_ =	shalt  }
0x4d: {  	_ =	shalt  }
0x4e: {  	_ =	shalt  }
0x4f: {  	_ =	shalt  }
0x50: {  	_ =	shalt  }
0x51: {  	_ =	shalt  }
0x52: {  	_ =	shalt  }
0x53: {  	_ =	shalt  }
0x54: {  	_ =	shalt  }
0x55: {  	_ =	shalt  }
0x56: {  	_ =	shalt  }
0x57: {  	_ =	shalt  }
0x58: {  	_ =	shalt  }
0x59: {  	_ =	shalt  }
0x5a: {  	_ =	shalt  }
0x5b: {  	_ =	shalt  }
0x5c: {  	_ =	shalt  }
0x5d: {  	_ =	shalt  }
0x5e: {  	_ =	shalt  }
0x5f: {  	_ =	shalt  }
0x60: {  	_ =	shalt  }
0x61: {  	_ =	shalt  }
0x62: {  	_ =	shalt  }
0x63: {  	_ =	shalt  }
0x64: {  	_ =	shalt  }
0x65: {  	_ =	shalt  }
0x66: {  	_ =	shalt  }
0x67: {  	_ =	shalt  }
0x68: {  	_ =	shalt  }
0x69: {  	_ =	shalt  }
0x6a: {  	_ =	shalt  }
0x6b: {  	_ =	shalt  }
0x6c: {  	_ =	shalt  }
0x6d: {  	_ =	shalt  }
0x6e: {  	_ =	shalt  }
0x6f: {  	_ =	shalt  }
0x70: {  	_ =	shalt  }
0x71: {  	_ =	shalt  }
0x72: {  	_ =	shalt  }
0x73: {  	_ =	shalt  }
0x74: {  	_ =	shalt  }
0x75: {  	_ =	shalt  }
0x76: {  	_ =	shalt  }
0x77: {  	_ =	shalt  }
0x78: {  	_ =	shalt  }
0x79: {  	_ =	shalt  }
0x7a: {  	_ =	shalt  }
0x7b: {  	_ =	shalt  }
0x7c: {  	_ =	shalt  }
0x7d: {  	_ =	shalt  }
0x7e: {  	_ =	shalt  }
0x7f: {  	_ =	shalt  }
0x80: {  	_ =	shalt  }
0x81: {  	_ =	shalt  }
0x82: {  	_ =	shalt  }
0x83: {  	_ =	shalt  }
0x84: {  	_ =	shalt  }
0x85: {  	_ =	shalt  }
0x86: {  	_ =	shalt  }
0x87: {  	_ =	shalt  }
.Lfunc_end0:
.L_simem_size_0:
called_computation_lowered:
.L_overlay_start_0:
0x88: {  	s2 =	sld [smem:$0x3FD9]  }
0x89: {  	s3 =	sld [smem:$0x3FFE];
	_ =	sdelay $0x1  }
0x8a: {  	s1 =	srdreg.scid  }
0x8b: {  	s0 =	sand.u32 $0x1, s1  }
0x8c: {  	s17 =	sshll.u32 s0, $0xA;
	s2 =	sadd.s32 s3, s2  }
0x8d: {  	s2 =	sadd.s32 s2, s17  }
0x8e: {  	[smem:$0x3FC5] =	sst s2  }
0x8f: {  	_ = 	snop  }
0x90: {  	s2 =	sld [smem:$0x3FD0];
	(tm) =	ssettm $0x1  }
0x91: {  	s18 =	sld [smem:$0x3FFB];
	_ =	sdelay $0x3  }
0x92: {  	_ =	strace s18  }
0x93: {  	s3 =	sld [smem:$0x3FFC];
	_ =	sdelay $0x3  }
0x94: {  	_ =	strace s3  }
0x95: {  	s3 =	sld [smem:$0x3FFD];
	_ =	sdelay $0x3  }
0x96: {  	_ =	strace s3  }
0x97: {  	_ =	strace $0x8FFFFFFF  }
0x98: {  	s19 =	sld [smem:$0x3FDB];
	_ =	sdelay $0x1  }
0x99: {  	s4 =	simm.s32 $_scs_section_size  }
0x9a: {  	s5 =	simm.s32 $_size__tile_overlayer_lowered;
	s6 =	simm.s32 $_tile_overlayer_lowered  }
0x9b: {  	s22 =	simm.s32 $0x1BFF;
	s21 =	sshll.u32 s6, $0x1;
	s3 =	sadd.s32 s4, s19  }
0x9c: {  	s7 =	simm.s32 $0x0;
	s20 =	sshll.u32 s5, $0x1;
	s5 =	sadd.s32 s21, s3  }
0x9d: {  	[timem:s7], [sflag:s22] =	dma.local [hbm:s5], s20  }
0x9e: {  	_ =	swait.ge [sflag:s22], s20  }
0x9f: {  	s4 =	ssub.s32 $0x0, s20;
	[sflag:s22] =	ssyncset.done $0x0  }
0xa0: {  	[sflag:s22] =	ssyncadd.s32 s4;
	_ =	sdelay $0x1  }
0xa1: {  	s23 =	simm.s32 $0x1B8B  }
0xa2: {  	_ =	swait.ge [sflag:s23], $0x1  }
0xa3: {  	[sflag:s23] =	ssyncset.done $0x0  }
0xa4: {  	s25 =	simm.s32 $0x1B8E;
	s24 =	sld [smem:$0x3FFE];
	[sflag:s23] =	ssyncadd.s32 $0xFFFFFFFF  }
0xa5: {  	s26 =	simm.s32 $execute0_lowered;
	[smem:$0x3FD2] =	sst s25  }
0xa6: {  	s5 =	sshll.u32 s26, $0x1;
	_ =	strace $0x80000046;
	[dreg:$0x1] =	wrdreg $0xFFFFFFFF  }
0xa7: {  	s28 =	simm.s32 $_size_execute0_lowered;
	s3 =	sadd.s32 s3, s5;
	[dreg:$0x0] =	wrdreg $0x0  }
0xa8: {  	s5 =	sshll.u32 s28, $0x1;
	[dreg:$0x2] =	wrdreg s3  }
0xa9: {  	[dreg:$0x3] =	wrdreg s5  }
0xaa: {  	[dreg:$0x4] =	wrdreg $0xC0  }
0xab: {  	_ =	task [dreg:s7], $0x5FFFF  }
0xac: {  	[dreg:$0x1] =	wrdreg $0xFFFFFFFF  }
0xad: {  	[dreg:$0x0] =	wrdreg $0x60  }
0xae: {  	[dreg:$0x2] =	wrdreg s24  }
0xaf: {  	[dreg:$0x3] =	wrdreg s2  }
0xb0: {  	[dreg:$0x4] =	wrdreg $0x9  }
0xb1: {  	_ =	task.clear_ibuf [dreg:s7], $0x5FFFF;
	_ =	strace $0x90000046  }
0xb2: {  	s29 =	simm.s32 $0x9;
	_ =	strace $0x80000048  }
0xb3: {  	_ =	swait.ge [sflag:s29], $0x1  }
0xb4: {  	[sflag:s29] =	ssyncadd.s32 $0xFFFFFFFF  }
0xb5: {  	_ =	strace $0x90000048  }
0xb6: {  	_ =	sfence  }
0xb7: {  	s30 =	sld [smem:$0x0];
	_ =	sdelay $0x2  }
0xb8: {  	s31 =	sshll.u32 s1, $0xD;
	s1 =	sshrl.u32 s1, $0x2  }
0xb9: {  	s3 =	sand.u32 $0x4000, s31;
	s1 =	sadd.s32 s1, s30  }
0xba: {  	s0 =	sor.u32 s3, s0;
	s1 =	sshll.u32 s1, $0x11  }
0xbb: {  	s0 =	sor.u32 s1, s0  }
0xbc: {  	s0 =	sadd.s32 $0x8F2B, s0  }
0xbd: {  	[sflag:s0] =	ssyncadd.remote.s32 $0x1  }
0xbe: {  	_ =	sfence.sel $0xFFFF  }
0xbf: {  	[dreg:$0x0] =	wrdreg $0xFFFFFFFF;
	(pc) =	sbr.abs _section_cstart, $3  }
0xc0: {  	[dreg:$0x1] =	wrdreg $0xFFFFFFFF  }
0xc1: {  	_ =	task.clear_ibuf [dreg:s7], $0x2FFFF;
	_ =	strace $0x9FFFFFFF  }
0xc2: {  	(tm) =	ssettm $0x7FFFFFFF  }
0xc3: {  	_ =	shalt  }
tec
execute0_lowered:
.L_overlay_start_1:
0x0: {  	(tag) =	ssettag $0x1  }
0x1: {  	s4 =	rddreg [dreg:$0x0]  }
0x2: {  	s5 =	rddreg [dreg:$0x1]  }
0x3: {  	s0 =	rddreg [dreg:$0x2];
	s1 =	simm.s32 $0x0;
	s2 =	srdreg.scid  }
0x4: {  	[smem:$0x7FF] =	sst s1;
	s7 =	sand.u32 $0x1, s2  }
0x5: {  	s2 =	stileid.u32;
	s3 =	sadd.s32 $0x6A00, s4;
	_ =	strace $0x80000047  }
0x6: {  	s6 =	ssub.s32 $0x2, s7;
	s8 =	sshll.u32 s2, $0x4;
	s28 =	sshll.u32 s7, $0x3  }
0x7: {  	s29 =	sshll.u32 s2, $0x1;
	s10 =	sshll.u32 s2, $0xB;
	s31 =	sshll.u32 s7, $0xA  }
0x8: {  	s9 =	sshrl.u32 s6, $0x1;
	s4 =	sadd.s32 s8, s4;
	s30 =	sadd.s32 s10, s5  }
0x9: {  	s7 =	sor.u32 s7, s29;
	s6 =	ssub.s32 s6, s9;
	s8 =	sadd.s32 s28, s4  }
0xa: {  	s4 =	smax.u32 s6, $0x1;
	s5 =	sadd.s32 $0x800, s8;
	s6 =	sadd.s32 s31, s30  }
.LBB2_1:
0xb: {  	s8 =	sadd.s32 $0x0, s7  }
0xc: {  	p0 =	sgt.u32 s8, $0xC34  }
0xd: {  	s8 =	simm.s32 @!p0 $0x0;
	s9 =	simm.s32 @!p0 $0x3  }
0xe: {  	[tilespmem:s8], [sflag:$0x3] =	stream.linear.gather @!p0 [hbm4b:s5+s8], $0x40, $0x38;
	[tilespmem:$0x2080] =	vst v63  }
0xf: {  	_ =	swait.ge @!p0 [sflag:s9], $0x40  }
0x10: {  	s10 =	simm.s32 @!p0 $0x1;
	[sflag:s9] =	ssyncset.done @!p0 $0x0  }
0x11: {  	s12 =	simm.s32 @!p0 $0x80;
	[sflag:s9] =	ssyncadd.s32 @!p0 $0xFFFFFFC0;
	s9 =	simm.s32 @!p0 $0x40  }
0x12: {  	[tilespmem:s12], [sflag:$0x1] =	stream.indirect.gather @!p0 [hbm4b:s3+s9], $0x80, s8, s9, $0xb8;
	[tilespmem:$0x2080] =	vst v63  }
0x13: {  	p1 =	por p0, p0;
	_ =	swait.ge @!p0 [sflag:s10], $0x2000  }
0x14: {  	[sflag:s10] =	ssyncset.done @!p1 $0x0  }
0x15: {  	s31 =	sadd.s32 $0x20, s7;
	s11 =	simm.s32 @!p1 $0x2;
	[sflag:s10] =	ssyncadd.s32 @!p1 $0xFFFFE000  }
0x16: {  	[hbm4b:s6+s8] =	stream.linear.scatter @!p1 [tilespmem:s12], [sflag:$0x2], $0x2000, $0x38;
	[tilespmem:$0x2080] =	vst v63  }
0x17: {  	s9 =	simm.s32 $0x40;
	p0 =	sgt.u32 s31, $0xC34;
	_ =	swait.ge @!p1 [sflag:s11], $0x2000  }
0x18: {  	s10 =	sadd.s32 $0x100, s5;
	s8 =	sadd.s32 $0x8000, s6;
	[sflag:s11] =	ssyncset.done @!p1 $0x0  }
.LBB2_2:
0x19: {  	s12 =	simm.s32 @!p0 $0x0;
	s13 =	simm.s32 @!p0 $0x3;
	[sflag:s11] =	ssyncadd.s32 @!p1 $0xFFFFE000  }
0x1a: {  	[tilespmem:s12], [sflag:$0x3] =	stream.linear.gather @!p0 [hbm4b:s10+s12], $0x40, $0x38;
	[tilespmem:$0x2080] =	vst v63  }
0x1b: {  	s14 =	smov.u32 s9;
	s9 =	sadd.s32 $0x20, s9;
	_ =	swait.ge @!p0 [sflag:s13], $0x40  }
0x1c: {  	s11 =	simm.s32 @!p0 $0x1;
	p2 =	sne.s32 s9, $0xC40;
	[sflag:s13] =	ssyncset.done @!p0 $0x0  }
0x1d: {  	s15 =	simm.s32 @!p0 $0x80;
	[sflag:s13] =	ssyncadd.s32 @!p0 $0xFFFFFFC0;
	s13 =	simm.s32 @!p0 $0x40  }
0x1e: {  	[tilespmem:s15], [sflag:$0x1] =	stream.indirect.gather @!p0 [hbm4b:s3+s13], $0x80, s12, s13, $0xb8;
	[tilespmem:$0x2080] =	vst v63  }
0x1f: {  	p1 =	por p0, p0;
	_ =	swait.ge @!p0 [sflag:s11], $0x2000  }
.Ltmp0:
0x20: {  	[sflag:s11] =	ssyncset.done @!p1 $0x0;
	(pc) =	sbr.rel @p2 .LBB2_2-.Ltmp0, $4  }
0x21: {  	[sflag:s11] =	ssyncadd.s32 @!p1 $0xFFFFE000;
	s11 =	simm.s32 @!p1 $0x2  }
0x22: {  	[hbm4b:s8+s12] =	stream.linear.scatter @!p1 [tilespmem:s15], [sflag:$0x2], $0x2000, $0x38;
	[tilespmem:$0x2080] =	vst v63  }
0x23: {  	s12 =	sadd.s32 s14, s7;
	s8 =	sadd.s32 $0x8000, s8;
	_ =	swait.ge @!p1 [sflag:s11], $0x2000  }
0x24: {  	s10 =	sadd.s32 $0x100, s10;
	p0 =	sgt.u32 s12, $0xC34;
	[sflag:s11] =	ssyncset.done @!p1 $0x0  }
0x25: {  	s9 =	simm.s32 @!p0 $0x0;
	s12 =	simm.s32 @!p0 $0x3;
	[sflag:s11] =	ssyncadd.s32 @!p1 $0xFFFFE000  }
0x26: {  	[tilespmem:s9], [sflag:$0x3] =	stream.linear.gather @!p0 [hbm4b:s10+s9], $0x40, $0x38;
	[tilespmem:$0x2080] =	vst v63  }
0x27: {  	_ =	swait.ge @!p0 [sflag:s12], $0x40  }
0x28: {  	s11 =	simm.s32 @!p0 $0x40;
	[sflag:s12] =	ssyncset.done @!p0 $0x0  }
0x29: {  	s10 =	simm.s32 @!p0 $0x1;
	[sflag:s12] =	ssyncadd.s32 @!p0 $0xFFFFFFC0;
	s12 =	simm.s32 @!p0 $0x80  }
0x2a: {  	[tilespmem:s12], [sflag:$0x1] =	stream.indirect.gather @!p0 [hbm4b:s3+s11], $0x80, s9, s11, $0xb8;
	[tilespmem:$0x2080] =	vst v63  }
0x2b: {  	s1 =	sadd.s32 $0x1, s1;
	_ =	swait.ge @!p0 [sflag:s10], $0x2000;
	p0 =	por p0, p0  }
0x2c: {  	p1 =	sne.s32 s1, s4;
	[sflag:s10] =	ssyncset.done @!p0 $0x0  }
.Ltmp1:
0x2d: {  	[sflag:s10] =	ssyncadd.s32 @!p0 $0xFFFFE000;
	s10 =	simm.s32 @!p0 $0x2;
	(pc) =	sbr.rel @p1 .LBB2_1-.Ltmp1, $4  }
0x2e: {  	[hbm4b:s8+s9] =	stream.linear.scatter @!p0 [tilespmem:s12], [sflag:$0x2], $0x2000, $0x38;
	[tilespmem:$0x2080] =	vst v63  }
0x2f: {  	_ =	swait.ge @!p0 [sflag:s10], $0x2000  }
0x30: {  	[sflag:s10] =	ssyncset.done @!p0 $0x0  }
0x31: {  	[sflag:s10] =	ssyncadd.s32 @!p0 $0xFFFFE000  }
0x32: {  	_ =	sfence.sel $0x180000  }
0x33: {  	[bflag:$0x0] =	sbarrier.arrive $0xFFFF  }
0x34: {  	p0 =	sne.s32 s2, $0x0;
	_ =	strace $0x90000047  }
0x35: {  	s0 =	sadd.s32 @!p0 $0x100000, s0;
	[bflag:$0x2] =	sbarrier.arrive $0xFFFF  }
0x36: {  	[sflag:s0] =	ssyncadd.tile.s32 @!p0 $0x1;
	_ =	shalt  }
.Lfunc_end2:
_tile_overlayer_lowered:
.L_overlay_start_2:
0x37: {  	(tag) =	ssettag $0x2  }
0x38: {  	s0 =	rddreg [dreg:$0x0];
	s2 =	stileid.u32  }
0x39: {  	s1 =	rddreg [dreg:$0x1];
	p0 =	sne.s32 s2, $0x0  }
0x3a: {  	s3 =	rddreg [dreg:$0x2];
	[bflag:$0x3] =	sbarrier.arrive $0xFFFF;
	s2 =	simm.s32 @!p0 $0x1C02  }
0x3b: {  	[timem:s3], [sflag:s2] =	dma.local @!p0 [hbm:s0], s1  }
0x3c: {  	s0 =	simm.s32 @!p0 $0x2  }
0x3d: {  	_ =	swait.ge @!p0 [sflag:s0], s1  }
0x3e: {  	s1 =	ssub.s32 @!p0 $0x0, s1;
	[sflag:s0] =	ssyncset.done @!p0 $0x0  }
0x3f: {  	[sflag:s0] =	ssyncadd.s32 @!p0 s1  }
0x40: {  	[bflag:$0x3] =	sbarrier.arrive $0xFFFF  }
0x41: {  	_ =	shalt  }

</sc_bundles>
